<compile_context>
chip_gen: v7x
topology: tpu7x:2x2x1
jax: 0.10.2.dev20260603
libtpu: 0.0.44.dev20260713+nightly
codegen_flags: <defaults>
</compile_context>

<pallas_src>
import functools

import jax
import jax.numpy as jnp
from jax import lax
from jax.experimental import pallas as pl
from jax.experimental.pallas import tpu as pltpu
from jax.experimental.pallas import tpu_sc as plsc

_D_MODEL = 768
_N_EXP = 64
_TOPK = 8
_BT = 4096
_NW = 32
_LANES = 16


def _matmul_body(x_ref, w_ref, b_ref, gate_ref):
    x = x_ref[...]
    w = w_ref[...]
    gate = jax.lax.dot_general(
        w, x, (((1,), (1,)), ((), ())), preferred_element_type=jnp.float32
    )
    gate_ref[...] = gate + b_ref[...]


def _tc_gate(x, W, b):
    T = x.shape[0]
    b2 = b.reshape(_N_EXP, 1)
    return pl.pallas_call(
        _matmul_body,
        grid=(T // _BT,),
        in_specs=[
            pl.BlockSpec((_BT, _D_MODEL), lambda i: (i, 0)),
            pl.BlockSpec((_N_EXP, _D_MODEL), lambda i: (0, 0)),
            pl.BlockSpec((_N_EXP, 1), lambda i: (0, 0)),
        ],
        out_specs=pl.BlockSpec((_N_EXP, _BT), lambda i: (0, i)),
        out_shape=jax.ShapeDtypeStruct((_N_EXP, T), jnp.float32),
        compiler_params=pltpu.CompilerParams(
            dimension_semantics=("arbitrary",),
        ),
    )(x, W, b2)


def _sc_topk(gate_t):
    E, T = gate_t.shape
    tpw = T // _NW
    mesh = plsc.VectorSubcoreMesh(core_axis_name="c", subcore_axis_name="s")

    @functools.partial(
        pl.kernel,
        mesh=mesh,
        out_type=[
            jax.ShapeDtypeStruct((_TOPK, T), jnp.int32),
            jax.ShapeDtypeStruct((_TOPK, T), jnp.float32),
        ],
        scratch_types=[
            pltpu.VMEM((E, tpw), jnp.float32),
            pltpu.VMEM((_TOPK, tpw), jnp.int32),
            pltpu.VMEM((_TOPK, tpw), jnp.float32),
        ],
    )
    def sc_kernel(gate_hbm, idx_hbm, score_hbm, slab, oidx, oscore):
        wid = lax.axis_index("s") * 2 + lax.axis_index("c")
        base = wid * tpw
        pltpu.sync_copy(gate_hbm.at[:, pl.ds(base, tpw)], slab)

        neg_inf = jnp.full((_LANES,), -jnp.inf, jnp.float32)
        zeros_i = jnp.zeros((_LANES,), jnp.int32)

        def group_body(g, _):
            off = g * _LANES

            def expert_body(e, carry):
                vals, idxs = carry
                x = slab[e, pl.ds(off, _LANES)]
                ei = jnp.full((_LANES,), e, jnp.int32)
                new_vals, new_idxs = [], []
                for j in range(_TOPK):
                    c = x > vals[j]
                    nv = jnp.where(c, x, vals[j])
                    ni = jnp.where(c, ei, idxs[j])
                    x = jnp.where(c, vals[j], x)
                    ei = jnp.where(c, idxs[j], ei)
                    new_vals.append(nv)
                    new_idxs.append(ni)
                return tuple(new_vals), tuple(new_idxs)

            vals0 = (neg_inf,) * _TOPK
            idxs0 = (zeros_i,) * _TOPK
            vals, idxs = lax.fori_loop(0, E, expert_body, (vals0, idxs0))

            es = [jnp.exp(v - vals[0]) for v in vals]
            tot = es[0]
            for t in es[1:]:
                tot = tot + t
            inv = 1.0 / tot
            for j in range(_TOPK):
                oidx[j, pl.ds(off, _LANES)] = idxs[j]
                oscore[j, pl.ds(off, _LANES)] = es[j] * inv
            return 0

        lax.fori_loop(0, tpw // _LANES, group_body, 0)
        pltpu.sync_copy(oidx, idx_hbm.at[:, pl.ds(base, tpw)])
        pltpu.sync_copy(oscore, score_hbm.at[:, pl.ds(base, tpw)])

    return sc_kernel(gate_t)


def kernel(x, W, b):
    gate_t = _tc_gate(x, W, b)
    idx_t, scores_t = _sc_topk(gate_t)
    return idx_t.T.astype(jnp.int64), scores_t.T

# --- scband reference (transcript-rebuilt; emitter-appended) ---
"""Pipeline reference for scband-deep-seek-gate-91096256348829 (READ-ONLY COPY).

The authoritative reference and input builder live on the scoring server;
editing this copy changes nothing except your own understanding.
"""

import jax, jax.numpy as jnp
import numpy as np

D_MODEL = 768
TOT_EXPERT = 64
TOP_K = 8
N_TOKENS = 32768

def setup_inputs(seed: int = 0) -> dict:
    key = jax.random.key(seed)
    k1, k2, k3 = jax.random.split(key, 3)
    x = jax.random.normal(k1, (N_TOKENS, D_MODEL), dtype=jnp.float32)
    # gate linear layer params: nn.Linear(d_model, tot_expert)
    bound = 1.0 / np.sqrt(D_MODEL)
    W = jax.random.uniform(k2, (TOT_EXPERT, D_MODEL), dtype=jnp.float32, minval=-bound, maxval=bound)
    b = jax.random.uniform(k3, (TOT_EXPERT,), dtype=jnp.float32, minval=-bound, maxval=bound)
    return {"x": x, "W": W, "b": b}

def reference(x, W, b):
    # gate = self.gate(inp)
    gate = jnp.dot(x, W.T) + b
    # gate_top_k_val, gate_top_k_idx = torch.topk(gate, k=top_k, largest=True)
    gate_top_k_val, gate_top_k_idx = jax.lax.top_k(gate, TOP_K)
    gate_top_k_val = gate_top_k_val.reshape(-1, TOP_K)
    # gate_score = softmax(gate_top_k_val, dim=-1)
    gate_score = jax.nn.softmax(gate_top_k_val, axis=-1)
    # DeepSeekGate returns (topk_idx, scores); aux loss is stored internally, not returned
    return (gate_top_k_idx.astype(jnp.int64), gate_score)

if __name__ == "__main__":
    import jax
    _d = setup_inputs()
    print(jax.jit(kernel)(*tuple(_d.values())))

</pallas_src>

<mosaic_0001>
#map = affine_map<(d0, d1) -> (0, 0)>
module attributes {stable_mosaic.version = 14 : i64} {
  func.func @sc_kernel(%arg0: i32, %arg1: i32, %arg2: memref<64x32768xf32, #tpu.memory_space<hbm>>, %arg3: memref<8x32768xi32, #tpu.memory_space<hbm>>, %arg4: memref<8x32768xf32, #tpu.memory_space<hbm>>, %arg5: memref<64x1024xf32, #tpu.memory_space<vmem>>, %arg6: memref<8x1024xi32, #tpu.memory_space<vmem>>, %arg7: memref<8x1024xf32, #tpu.memory_space<vmem>>) attributes {dimension_semantics = [#tpu.dimension_semantics<core_parallel>, #tpu.dimension_semantics<subcore_parallel>], iteration_bounds = array<i64: 2, 16>, scalar_prefetch = 0 : i64, scratch_operands = 3 : i64, tpu.core_type = #tpu.core_type<sc_vector_subcore>, window_params = [{transform_indices = #map}, {transform_indices = #map}, {transform_indices = #map}]} {
    %mul3A = arith.constant 2 : i32
    %mul3A_0 = arith.muli %arg1, %mul3A : i32
    %add3A = arith.addi %mul3A_0, %arg0 : i32
    %mul3A_1 = arith.constant 1024 : i32
    %mul3A_2 = arith.muli %add3A, %mul3A_1 : i32
    "tpu.region"() ({
      %run_scoped3A = tpu.sem_alloc : memref<!tpu.dma_semaphore, #tpu.memory_space<semaphore_mem>>
      %dma_start3A = arith.constant 0 : i32
      %dma_start3A_12 = tpu.memref_slice %arg2[%dma_start3A, %mul3A_2] : memref<64x32768xf32, #tpu.memory_space<hbm>> -> memref<64x1024xf32, #tpu.memory_space<hbm>>
      %dma_start3A_13 = arith.constant 0 : i32
      %dma_start3A_14 = tpu.memref_slice %arg2[%dma_start3A_13, %mul3A_2] : memref<64x32768xf32, #tpu.memory_space<hbm>> -> memref<64x1024xf32, #tpu.memory_space<hbm>>
      tpu.enqueue_dma source(%dma_start3A_14 : memref<64x1024xf32, #tpu.memory_space<hbm>>) target(%arg5 : memref<64x1024xf32, #tpu.memory_space<vmem>>) target_semaphore(%run_scoped3A : memref<!tpu.dma_semaphore, #tpu.memory_space<semaphore_mem>>)
      %dma_wait3A = arith.constant 0 : i32
      %dma_wait3A_15 = tpu.memref_slice %arg2[%dma_wait3A, %mul3A_2] : memref<64x32768xf32, #tpu.memory_space<hbm>> -> memref<64x1024xf32, #tpu.memory_space<hbm>>
      %dma_wait3A_16 = arith.constant 0 : i32
      %dma_wait3A_17 = tpu.memref_slice %arg2[%dma_wait3A_16, %mul3A_2] : memref<64x32768xf32, #tpu.memory_space<hbm>> -> memref<64x1024xf32, #tpu.memory_space<hbm>>
      tpu.wait_dma2 semaphore(%run_scoped3A : memref<!tpu.dma_semaphore, #tpu.memory_space<semaphore_mem>>) src(%dma_wait3A_17 : memref<64x1024xf32, #tpu.memory_space<hbm>>) dst(%arg5 : memref<64x1024xf32, #tpu.memory_space<vmem>>)
      tpu.yield
    }) : () -> ()
    %broadcast_in_dim3A = arith.constant 0xFF800000 : f32
    %broadcast_in_dim3A_3 = vector.broadcast %broadcast_in_dim3A : f32 to vector<16xf32>
    %broadcast_in_dim3A_4 = arith.constant 0 : i32
    %broadcast_in_dim3A_5 = vector.broadcast %broadcast_in_dim3A_4 : i32 to vector<16xi32>
    %scan3A = arith.constant 0 : i32
    %scan3A_6 = arith.constant 0 : i32
    %scan3A_7 = arith.constant 64 : i32
    %scan3A_8 = arith.addi %scan3A_6, %scan3A_7 : i32
    %scan3A_9 = arith.constant 1 : i32
    %scan3A_10 = scf.for %scan3A_12 = %scan3A_6 to %scan3A_8 step %scan3A_9 iter_args(%scan3A_13 = %scan3A) -> (i32)  : i32 {
      %mul3A_14 = arith.constant 16 : i32
      %mul3A_15 = arith.muli %scan3A_12, %mul3A_14 : i32
      %scan3A_16 = arith.constant 0 : i32
      %scan3A_17 = arith.constant 64 : i32
      %scan3A_18 = arith.addi %scan3A_16, %scan3A_17 : i32
      %scan3A_19 = arith.constant 1 : i32
      %scan3A_20:16 = scf.for %scan3A_149 = %scan3A_16 to %scan3A_18 step %scan3A_19 iter_args(%scan3A_150 = %broadcast_in_dim3A_3, %scan3A_151 = %broadcast_in_dim3A_3, %scan3A_152 = %broadcast_in_dim3A_3, %scan3A_153 = %broadcast_in_dim3A_3, %scan3A_154 = %broadcast_in_dim3A_3, %scan3A_155 = %broadcast_in_dim3A_3, %scan3A_156 = %broadcast_in_dim3A_3, %scan3A_157 = %broadcast_in_dim3A_3, %scan3A_158 = %broadcast_in_dim3A_5, %scan3A_159 = %broadcast_in_dim3A_5, %scan3A_160 = %broadcast_in_dim3A_5, %scan3A_161 = %broadcast_in_dim3A_5, %scan3A_162 = %broadcast_in_dim3A_5, %scan3A_163 = %broadcast_in_dim3A_5, %scan3A_164 = %broadcast_in_dim3A_5, %scan3A_165 = %broadcast_in_dim3A_5) -> (vector<16xf32>, vector<16xf32>, vector<16xf32>, vector<16xf32>, vector<16xf32>, vector<16xf32>, vector<16xf32>, vector<16xf32>, vector<16xi32>, vector<16xi32>, vector<16xi32>, vector<16xi32>, vector<16xi32>, vector<16xi32>, vector<16xi32>, vector<16xi32>)  : i32 {
        %get3A = arith.index_cast %scan3A_149 : i32 to index
        %get3A_166 = arith.index_cast %mul3A_15 : i32 to index
        %get3A_167 = tpu.vector_load %arg5[%get3A, %get3A_166] {strides = array<i32>} : memref<64x1024xf32, #tpu.memory_space<vmem>>, vector<1x16xf32>,
        %get3A_168 = vector.shape_cast %get3A_167 : vector<1x16xf32> to vector<16xf32>
        %broadcast_in_dim3A_169 = vector.broadcast %scan3A_149 : i32 to vector<16xi32>
        %gt3A = arith.cmpf ogt, %get3A_168, %scan3A_150 : vector<16xf32>
        %select_n3A = arith.select %gt3A, %get3A_168, %scan3A_150 : vector<16xi1>, vector<16xf32>
        %select_n3A_170 = arith.select %gt3A, %broadcast_in_dim3A_169, %scan3A_158 : vector<16xi1>, vector<16xi32>
        %select_n3A_171 = arith.select %gt3A, %scan3A_150, %get3A_168 : vector<16xi1>, vector<16xf32>
        %select_n3A_172 = arith.select %gt3A, %scan3A_158, %broadcast_in_dim3A_169 : vector<16xi1>, vector<16xi32>
        %gt3A_173 = arith.cmpf ogt, %select_n3A_171, %scan3A_151 : vector<16xf32>
        %select_n3A_174 = arith.select %gt3A_173, %select_n3A_171, %scan3A_151 : vector<16xi1>, vector<16xf32>
        %select_n3A_175 = arith.select %gt3A_173, %select_n3A_172, %scan3A_159 : vector<16xi1>, vector<16xi32>
        %select_n3A_176 = arith.select %gt3A_173, %scan3A_151, %select_n3A_171 : vector<16xi1>, vector<16xf32>
        %select_n3A_177 = arith.select %gt3A_173, %scan3A_159, %select_n3A_172 : vector<16xi1>, vector<16xi32>
        %gt3A_178 = arith.cmpf ogt, %select_n3A_176, %scan3A_152 : vector<16xf32>
        %select_n3A_179 = arith.select %gt3A_178, %select_n3A_176, %scan3A_152 : vector<16xi1>, vector<16xf32>
        %select_n3A_180 = arith.select %gt3A_178, %select_n3A_177, %scan3A_160 : vector<16xi1>, vector<16xi32>
        %select_n3A_181 = arith.select %gt3A_178, %scan3A_152, %select_n3A_176 : vector<16xi1>, vector<16xf32>
        %select_n3A_182 = arith.select %gt3A_178, %scan3A_160, %select_n3A_177 : vector<16xi1>, vector<16xi32>
        %gt3A_183 = arith.cmpf ogt, %select_n3A_181, %scan3A_153 : vector<16xf32>
        %select_n3A_184 = arith.select %gt3A_183, %select_n3A_181, %scan3A_153 : vector<16xi1>, vector<16xf32>
        %select_n3A_185 = arith.select %gt3A_183, %select_n3A_182, %scan3A_161 : vector<16xi1>, vector<16xi32>
        %select_n3A_186 = arith.select %gt3A_183, %scan3A_153, %select_n3A_181 : vector<16xi1>, vector<16xf32>
        %select_n3A_187 = arith.select %gt3A_183, %scan3A_161, %select_n3A_182 : vector<16xi1>, vector<16xi32>
        %gt3A_188 = arith.cmpf ogt, %select_n3A_186, %scan3A_154 : vector<16xf32>
        %select_n3A_189 = arith.select %gt3A_188, %select_n3A_186, %scan3A_154 : vector<16xi1>, vector<16xf32>
        %select_n3A_190 = arith.select %gt3A_188, %select_n3A_187, %scan3A_162 : vector<16xi1>, vector<16xi32>
        %select_n3A_191 = arith.select %gt3A_188, %scan3A_154, %select_n3A_186 : vector<16xi1>, vector<16xf32>
        %select_n3A_192 = arith.select %gt3A_188, %scan3A_162, %select_n3A_187 : vector<16xi1>, vector<16xi32>
        %gt3A_193 = arith.cmpf ogt, %select_n3A_191, %scan3A_155 : vector<16xf32>
        %select_n3A_194 = arith.select %gt3A_193, %select_n3A_191, %scan3A_155 : vector<16xi1>, vector<16xf32>
        %select_n3A_195 = arith.select %gt3A_193, %select_n3A_192, %scan3A_163 : vector<16xi1>, vector<16xi32>
        %select_n3A_196 = arith.select %gt3A_193, %scan3A_155, %select_n3A_191 : vector<16xi1>, vector<16xf32>
        %select_n3A_197 = arith.select %gt3A_193, %scan3A_163, %select_n3A_192 : vector<16xi1>, vector<16xi32>
        %gt3A_198 = arith.cmpf ogt, %select_n3A_196, %scan3A_156 : vector<16xf32>
        %select_n3A_199 = arith.select %gt3A_198, %select_n3A_196, %scan3A_156 : vector<16xi1>, vector<16xf32>
        %select_n3A_200 = arith.select %gt3A_198, %select_n3A_197, %scan3A_164 : vector<16xi1>, vector<16xi32>
        %select_n3A_201 = arith.select %gt3A_198, %scan3A_156, %select_n3A_196 : vector<16xi1>, vector<16xf32>
        %select_n3A_202 = arith.select %gt3A_198, %scan3A_164, %select_n3A_197 : vector<16xi1>, vector<16xi32>
        %gt3A_203 = arith.cmpf ogt, %select_n3A_201, %scan3A_157 : vector<16xf32>
        %select_n3A_204 = arith.select %gt3A_203, %select_n3A_201, %scan3A_157 : vector<16xi1>, vector<16xf32>
        %select_n3A_205 = arith.select %gt3A_203, %select_n3A_202, %scan3A_165 : vector<16xi1>, vector<16xi32>
        %select_n3A_206 = arith.select %gt3A_203, %scan3A_157, %select_n3A_201 : vector<16xi1>, vector<16xf32>
        %select_n3A_207 = arith.select %gt3A_203, %scan3A_165, %select_n3A_202 : vector<16xi1>, vector<16xi32>
        scf.yield %select_n3A, %select_n3A_174, %select_n3A_179, %select_n3A_184, %select_n3A_189, %select_n3A_194, %select_n3A_199, %select_n3A_204, %select_n3A_170, %select_n3A_175, %select_n3A_180, %select_n3A_185, %select_n3A_190, %select_n3A_195, %select_n3A_200, %select_n3A_205 : vector<16xf32>, vector<16xf32>, vector<16xf32>, vector<16xf32>, vector<16xf32>, vector<16xf32>, vector<16xf32>, vector<16xf32>, vector<16xi32>, vector<16xi32>, vector<16xi32>, vector<16xi32>, vector<16xi32>, vector<16xi32>, vector<16xi32>, vector<16xi32>
      }
      %scan3A_21 = arith.constant 64 : i32
      %sub3A = arith.subf %scan3A_20#0, %scan3A_20#0 : vector<16xf32>
      %exp3A = math.exp %sub3A : vector<16xf32>
      %sub3A_22 = arith.subf %scan3A_20#1, %scan3A_20#0 : vector<16xf32>
      %exp3A_23 = math.exp %sub3A_22 : vector<16xf32>
      %sub3A_24 = arith.subf %scan3A_20#2, %scan3A_20#0 : vector<16xf32>
      %exp3A_25 = math.exp %sub3A_24 : vector<16xf32>
      %sub3A_26 = arith.subf %scan3A_20#3, %scan3A_20#0 : vector<16xf32>
      %exp3A_27 = math.exp %sub3A_26 : vector<16xf32>
      %sub3A_28 = arith.subf %scan3A_20#4, %scan3A_20#0 : vector<16xf32>
      %exp3A_29 = math.exp %sub3A_28 : vector<16xf32>
      %sub3A_30 = arith.subf %scan3A_20#5, %scan3A_20#0 : vector<16xf32>
      %exp3A_31 = math.exp %sub3A_30 : vector<16xf32>
      %sub3A_32 = arith.subf %scan3A_20#6, %scan3A_20#0 : vector<16xf32>
      %exp3A_33 = math.exp %sub3A_32 : vector<16xf32>
      %sub3A_34 = arith.subf %scan3A_20#7, %scan3A_20#0 : vector<16xf32>
      %exp3A_35 = math.exp %sub3A_34 : vector<16xf32>
      %add3A_36 = arith.addf %exp3A, %exp3A_23 : vector<16xf32>
      %add3A_37 = arith.addf %add3A_36, %exp3A_25 : vector<16xf32>
      %add3A_38 = arith.addf %add3A_37, %exp3A_27 : vector<16xf32>
      %add3A_39 = arith.addf %add3A_38, %exp3A_29 : vector<16xf32>
      %add3A_40 = arith.addf %add3A_39, %exp3A_31 : vector<16xf32>
      %add3A_41 = arith.addf %add3A_40, %exp3A_33 : vector<16xf32>
      %add3A_42 = arith.addf %add3A_41, %exp3A_35 : vector<16xf32>
      %div3A = arith.constant 1.000000e+00 : f32
      %div3A_43 = vector.broadcast %div3A : f32 to vector<16xf32>
      %div3A_44 = arith.divf %div3A_43, %add3A_42 : vector<16xf32>
      %swap3A = arith.constant 0 : i32
      %swap3A_45 = arith.index_cast %swap3A : i32 to index
      %swap3A_46 = arith.index_cast %mul3A_15 : i32 to index
      %swap3A_47 = tpu.vector_load %arg6[%swap3A_45, %swap3A_46] {strides = array<i32>} : memref<8x1024xi32, #tpu.memory_space<vmem>>, vector<1x16xi32>,
      %swap3A_48 = vector.shape_cast %swap3A_47 : vector<1x16xi32> to vector<16xi32>
      %swap3A_49 = vector.shape_cast %scan3A_20#8 : vector<16xi32> to vector<1x16xi32>
      tpu.vector_store %arg6[%swap3A_45, %swap3A_46], %swap3A_49 {strides = array<i32>} : memref<8x1024xi32, #tpu.memory_space<vmem>>, vector<1x16xi32>,
      %mul3A_50 = arith.mulf %exp3A, %div3A_44 : vector<16xf32>
      %swap3A_51 = arith.constant 0 : i32
      %swap3A_52 = arith.index_cast %swap3A_51 : i32 to index
      %swap3A_53 = arith.index_cast %mul3A_15 : i32 to index
      %swap3A_54 = tpu.vector_load %arg7[%swap3A_52, %swap3A_53] {strides = array<i32>} : memref<8x1024xf32, #tpu.memory_space<vmem>>, vector<1x16xf32>,
      %swap3A_55 = vector.shape_cast %swap3A_54 : vector<1x16xf32> to vector<16xf32>
      %swap3A_56 = vector.shape_cast %mul3A_50 : vector<16xf32> to vector<1x16xf32>
      tpu.vector_store %arg7[%swap3A_52, %swap3A_53], %swap3A_56 {strides = array<i32>} : memref<8x1024xf32, #tpu.memory_space<vmem>>, vector<1x16xf32>,
      %swap3A_57 = arith.constant 1 : i32
      %swap3A_58 = arith.index_cast %swap3A_57 : i32 to index
      %swap3A_59 = arith.index_cast %mul3A_15 : i32 to index
      %swap3A_60 = tpu.vector_load %arg6[%swap3A_58, %swap3A_59] {strides = array<i32>} : memref<8x1024xi32, #tpu.memory_space<vmem>>, vector<1x16xi32>,
      %swap3A_61 = vector.shape_cast %swap3A_60 : vector<1x16xi32> to vector<16xi32>
      %swap3A_62 = vector.shape_cast %scan3A_20#9 : vector<16xi32> to vector<1x16xi32>
      tpu.vector_store %arg6[%swap3A_58, %swap3A_59], %swap3A_62 {strides = array<i32>} : memref<8x1024xi32, #tpu.memory_space<vmem>>, vector<1x16xi32>,
      %mul3A_63 = arith.mulf %exp3A_23, %div3A_44 : vector<16xf32>
      %swap3A_64 = arith.constant 1 : i32
      %swap3A_65 = arith.index_cast %swap3A_64 : i32 to index
      %swap3A_66 = arith.index_cast %mul3A_15 : i32 to index
      %swap3A_67 = tpu.vector_load %arg7[%swap3A_65, %swap3A_66] {strides = array<i32>} : memref<8x1024xf32, #tpu.memory_space<vmem>>, vector<1x16xf32>,
      %swap3A_68 = vector.shape_cast %swap3A_67 : vector<1x16xf32> to vector<16xf32>
      %swap3A_69 = vector.shape_cast %mul3A_63 : vector<16xf32> to vector<1x16xf32>
      tpu.vector_store %arg7[%swap3A_65, %swap3A_66], %swap3A_69 {strides = array<i32>} : memref<8x1024xf32, #tpu.memory_space<vmem>>, vector<1x16xf32>,
      %swap3A_70 = arith.constant 2 : i32
      %swap3A_71 = arith.index_cast %swap3A_70 : i32 to index
      %swap3A_72 = arith.index_cast %mul3A_15 : i32 to index
      %swap3A_73 = tpu.vector_load %arg6[%swap3A_71, %swap3A_72] {strides = array<i32>} : memref<8x1024xi32, #tpu.memory_space<vmem>>, vector<1x16xi32>,
      %swap3A_74 = vector.shape_cast %swap3A_73 : vector<1x16xi32> to vector<16xi32>
      %swap3A_75 = vector.shape_cast %scan3A_20#10 : vector<16xi32> to vector<1x16xi32>
      tpu.vector_store %arg6[%swap3A_71, %swap3A_72], %swap3A_75 {strides = array<i32>} : memref<8x1024xi32, #tpu.memory_space<vmem>>, vector<1x16xi32>,
      %mul3A_76 = arith.mulf %exp3A_25, %div3A_44 : vector<16xf32>
      %swap3A_77 = arith.constant 2 : i32
      %swap3A_78 = arith.index_cast %swap3A_77 : i32 to index
      %swap3A_79 = arith.index_cast %mul3A_15 : i32 to index
      %swap3A_80 = tpu.vector_load %arg7[%swap3A_78, %swap3A_79] {strides = array<i32>} : memref<8x1024xf32, #tpu.memory_space<vmem>>, vector<1x16xf32>,
      %swap3A_81 = vector.shape_cast %swap3A_80 : vector<1x16xf32> to vector<16xf32>
      %swap3A_82 = vector.shape_cast %mul3A_76 : vector<16xf32> to vector<1x16xf32>
      tpu.vector_store %arg7[%swap3A_78, %swap3A_79], %swap3A_82 {strides = array<i32>} : memref<8x1024xf32, #tpu.memory_space<vmem>>, vector<1x16xf32>,
      %swap3A_83 = arith.constant 3 : i32
      %swap3A_84 = arith.index_cast %swap3A_83 : i32 to index
      %swap3A_85 = arith.index_cast %mul3A_15 : i32 to index
      %swap3A_86 = tpu.vector_load %arg6[%swap3A_84, %swap3A_85] {strides = array<i32>} : memref<8x1024xi32, #tpu.memory_space<vmem>>, vector<1x16xi32>,
      %swap3A_87 = vector.shape_cast %swap3A_86 : vector<1x16xi32> to vector<16xi32>
      %swap3A_88 = vector.shape_cast %scan3A_20#11 : vector<16xi32> to vector<1x16xi32>
      tpu.vector_store %arg6[%swap3A_84, %swap3A_85], %swap3A_88 {strides = array<i32>} : memref<8x1024xi32, #tpu.memory_space<vmem>>, vector<1x16xi32>,
      %mul3A_89 = arith.mulf %exp3A_27, %div3A_44 : vector<16xf32>
      %swap3A_90 = arith.constant 3 : i32
      %swap3A_91 = arith.index_cast %swap3A_90 : i32 to index
      %swap3A_92 = arith.index_cast %mul3A_15 : i32 to index
      %swap3A_93 = tpu.vector_load %arg7[%swap3A_91, %swap3A_92] {strides = array<i32>} : memref<8x1024xf32, #tpu.memory_space<vmem>>, vector<1x16xf32>,
      %swap3A_94 = vector.shape_cast %swap3A_93 : vector<1x16xf32> to vector<16xf32>
      %swap3A_95 = vector.shape_cast %mul3A_89 : vector<16xf32> to vector<1x16xf32>
      tpu.vector_store %arg7[%swap3A_91, %swap3A_92], %swap3A_95 {strides = array<i32>} : memref<8x1024xf32, #tpu.memory_space<vmem>>, vector<1x16xf32>,
      %swap3A_96 = arith.constant 4 : i32
      %swap3A_97 = arith.index_cast %swap3A_96 : i32 to index
      %swap3A_98 = arith.index_cast %mul3A_15 : i32 to index
      %swap3A_99 = tpu.vector_load %arg6[%swap3A_97, %swap3A_98] {strides = array<i32>} : memref<8x1024xi32, #tpu.memory_space<vmem>>, vector<1x16xi32>,
      %swap3A_100 = vector.shape_cast %swap3A_99 : vector<1x16xi32> to vector<16xi32>
      %swap3A_101 = vector.shape_cast %scan3A_20#12 : vector<16xi32> to vector<1x16xi32>
      tpu.vector_store %arg6[%swap3A_97, %swap3A_98], %swap3A_101 {strides = array<i32>} : memref<8x1024xi32, #tpu.memory_space<vmem>>, vector<1x16xi32>,
      %mul3A_102 = arith.mulf %exp3A_29, %div3A_44 : vector<16xf32>
      %swap3A_103 = arith.constant 4 : i32
      %swap3A_104 = arith.index_cast %swap3A_103 : i32 to index
      %swap3A_105 = arith.index_cast %mul3A_15 : i32 to index
      %swap3A_106 = tpu.vector_load %arg7[%swap3A_104, %swap3A_105] {strides = array<i32>} : memref<8x1024xf32, #tpu.memory_space<vmem>>, vector<1x16xf32>,
      %swap3A_107 = vector.shape_cast %swap3A_106 : vector<1x16xf32> to vector<16xf32>
      %swap3A_108 = vector.shape_cast %mul3A_102 : vector<16xf32> to vector<1x16xf32>
      tpu.vector_store %arg7[%swap3A_104, %swap3A_105], %swap3A_108 {strides = array<i32>} : memref<8x1024xf32, #tpu.memory_space<vmem>>, vector<1x16xf32>,
      %swap3A_109 = arith.constant 5 : i32
      %swap3A_110 = arith.index_cast %swap3A_109 : i32 to index
      %swap3A_111 = arith.index_cast %mul3A_15 : i32 to index
      %swap3A_112 = tpu.vector_load %arg6[%swap3A_110, %swap3A_111] {strides = array<i32>} : memref<8x1024xi32, #tpu.memory_space<vmem>>, vector<1x16xi32>,
      %swap3A_113 = vector.shape_cast %swap3A_112 : vector<1x16xi32> to vector<16xi32>
      %swap3A_114 = vector.shape_cast %scan3A_20#13 : vector<16xi32> to vector<1x16xi32>
      tpu.vector_store %arg6[%swap3A_110, %swap3A_111], %swap3A_114 {strides = array<i32>} : memref<8x1024xi32, #tpu.memory_space<vmem>>, vector<1x16xi32>,
      %mul3A_115 = arith.mulf %exp3A_31, %div3A_44 : vector<16xf32>
      %swap3A_116 = arith.constant 5 : i32
      %swap3A_117 = arith.index_cast %swap3A_116 : i32 to index
      %swap3A_118 = arith.index_cast %mul3A_15 : i32 to index
      %swap3A_119 = tpu.vector_load %arg7[%swap3A_117, %swap3A_118] {strides = array<i32>} : memref<8x1024xf32, #tpu.memory_space<vmem>>, vector<1x16xf32>,
      %swap3A_120 = vector.shape_cast %swap3A_119 : vector<1x16xf32> to vector<16xf32>
      %swap3A_121 = vector.shape_cast %mul3A_115 : vector<16xf32> to vector<1x16xf32>
      tpu.vector_store %arg7[%swap3A_117, %swap3A_118], %swap3A_121 {strides = array<i32>} : memref<8x1024xf32, #tpu.memory_space<vmem>>, vector<1x16xf32>,
      %swap3A_122 = arith.constant 6 : i32
      %swap3A_123 = arith.index_cast %swap3A_122 : i32 to index
      %swap3A_124 = arith.index_cast %mul3A_15 : i32 to index
      %swap3A_125 = tpu.vector_load %arg6[%swap3A_123, %swap3A_124] {strides = array<i32>} : memref<8x1024xi32, #tpu.memory_space<vmem>>, vector<1x16xi32>,
      %swap3A_126 = vector.shape_cast %swap3A_125 : vector<1x16xi32> to vector<16xi32>
      %swap3A_127 = vector.shape_cast %scan3A_20#14 : vector<16xi32> to vector<1x16xi32>
      tpu.vector_store %arg6[%swap3A_123, %swap3A_124], %swap3A_127 {strides = array<i32>} : memref<8x1024xi32, #tpu.memory_space<vmem>>, vector<1x16xi32>,
      %mul3A_128 = arith.mulf %exp3A_33, %div3A_44 : vector<16xf32>
      %swap3A_129 = arith.constant 6 : i32
      %swap3A_130 = arith.index_cast %swap3A_129 : i32 to index
      %swap3A_131 = arith.index_cast %mul3A_15 : i32 to index
      %swap3A_132 = tpu.vector_load %arg7[%swap3A_130, %swap3A_131] {strides = array<i32>} : memref<8x1024xf32, #tpu.memory_space<vmem>>, vector<1x16xf32>,
      %swap3A_133 = vector.shape_cast %swap3A_132 : vector<1x16xf32> to vector<16xf32>
      %swap3A_134 = vector.shape_cast %mul3A_128 : vector<16xf32> to vector<1x16xf32>
      tpu.vector_store %arg7[%swap3A_130, %swap3A_131], %swap3A_134 {strides = array<i32>} : memref<8x1024xf32, #tpu.memory_space<vmem>>, vector<1x16xf32>,
      %swap3A_135 = arith.constant 7 : i32
      %swap3A_136 = arith.index_cast %swap3A_135 : i32 to index
      %swap3A_137 = arith.index_cast %mul3A_15 : i32 to index
      %swap3A_138 = tpu.vector_load %arg6[%swap3A_136, %swap3A_137] {strides = array<i32>} : memref<8x1024xi32, #tpu.memory_space<vmem>>, vector<1x16xi32>,
      %swap3A_139 = vector.shape_cast %swap3A_138 : vector<1x16xi32> to vector<16xi32>
      %swap3A_140 = vector.shape_cast %scan3A_20#15 : vector<16xi32> to vector<1x16xi32>
      tpu.vector_store %arg6[%swap3A_136, %swap3A_137], %swap3A_140 {strides = array<i32>} : memref<8x1024xi32, #tpu.memory_space<vmem>>, vector<1x16xi32>,
      %mul3A_141 = arith.mulf %exp3A_35, %div3A_44 : vector<16xf32>
      %swap3A_142 = arith.constant 7 : i32
      %swap3A_143 = arith.index_cast %swap3A_142 : i32 to index
      %swap3A_144 = arith.index_cast %mul3A_15 : i32 to index
      %swap3A_145 = tpu.vector_load %arg7[%swap3A_143, %swap3A_144] {strides = array<i32>} : memref<8x1024xf32, #tpu.memory_space<vmem>>, vector<1x16xf32>,
      %swap3A_146 = vector.shape_cast %swap3A_145 : vector<1x16xf32> to vector<16xf32>
      %swap3A_147 = vector.shape_cast %mul3A_141 : vector<16xf32> to vector<1x16xf32>
      tpu.vector_store %arg7[%swap3A_143, %swap3A_144], %swap3A_147 {strides = array<i32>} : memref<8x1024xf32, #tpu.memory_space<vmem>>, vector<1x16xf32>,
      %scan3A_148 = arith.constant 0 : i32
      scf.yield %scan3A_148 : i32
    }
    %scan3A_11 = arith.constant 64 : i32
    "tpu.region"() ({
      %run_scoped3A = tpu.sem_alloc : memref<!tpu.dma_semaphore, #tpu.memory_space<semaphore_mem>>
      %dma_start3A = arith.constant 0 : i32
      %dma_start3A_12 = tpu.memref_slice %arg3[%dma_start3A, %mul3A_2] : memref<8x32768xi32, #tpu.memory_space<hbm>> -> memref<8x1024xi32, #tpu.memory_space<hbm>>
      %dma_start3A_13 = arith.constant 0 : i32
      %dma_start3A_14 = tpu.memref_slice %arg3[%dma_start3A_13, %mul3A_2] : memref<8x32768xi32, #tpu.memory_space<hbm>> -> memref<8x1024xi32, #tpu.memory_space<hbm>>
      tpu.enqueue_dma source(%arg6 : memref<8x1024xi32, #tpu.memory_space<vmem>>) target(%dma_start3A_14 : memref<8x1024xi32, #tpu.memory_space<hbm>>) target_semaphore(%run_scoped3A : memref<!tpu.dma_semaphore, #tpu.memory_space<semaphore_mem>>)
      %dma_wait3A = arith.constant 0 : i32
      %dma_wait3A_15 = tpu.memref_slice %arg3[%dma_wait3A, %mul3A_2] : memref<8x32768xi32, #tpu.memory_space<hbm>> -> memref<8x1024xi32, #tpu.memory_space<hbm>>
      %dma_wait3A_16 = arith.constant 0 : i32
      %dma_wait3A_17 = tpu.memref_slice %arg3[%dma_wait3A_16, %mul3A_2] : memref<8x32768xi32, #tpu.memory_space<hbm>> -> memref<8x1024xi32, #tpu.memory_space<hbm>>
      tpu.wait_dma2 semaphore(%run_scoped3A : memref<!tpu.dma_semaphore, #tpu.memory_space<semaphore_mem>>) src(%arg6 : memref<8x1024xi32, #tpu.memory_space<vmem>>) dst(%dma_wait3A_17 : memref<8x1024xi32, #tpu.memory_space<hbm>>)
      tpu.yield
    }) : () -> ()
    "tpu.region"() ({
      %run_scoped3A = tpu.sem_alloc : memref<!tpu.dma_semaphore, #tpu.memory_space<semaphore_mem>>
      %dma_start3A = arith.constant 0 : i32
      %dma_start3A_12 = tpu.memref_slice %arg4[%dma_start3A, %mul3A_2] : memref<8x32768xf32, #tpu.memory_space<hbm>> -> memref<8x1024xf32, #tpu.memory_space<hbm>>
      %dma_start3A_13 = arith.constant 0 : i32
      %dma_start3A_14 = tpu.memref_slice %arg4[%dma_start3A_13, %mul3A_2] : memref<8x32768xf32, #tpu.memory_space<hbm>> -> memref<8x1024xf32, #tpu.memory_space<hbm>>
      tpu.enqueue_dma source(%arg7 : memref<8x1024xf32, #tpu.memory_space<vmem>>) target(%dma_start3A_14 : memref<8x1024xf32, #tpu.memory_space<hbm>>) target_semaphore(%run_scoped3A : memref<!tpu.dma_semaphore, #tpu.memory_space<semaphore_mem>>)
      %dma_wait3A = arith.constant 0 : i32
      %dma_wait3A_15 = tpu.memref_slice %arg4[%dma_wait3A, %mul3A_2] : memref<8x32768xf32, #tpu.memory_space<hbm>> -> memref<8x1024xf32, #tpu.memory_space<hbm>>
      %dma_wait3A_16 = arith.constant 0 : i32
      %dma_wait3A_17 = tpu.memref_slice %arg4[%dma_wait3A_16, %mul3A_2] : memref<8x32768xf32, #tpu.memory_space<hbm>> -> memref<8x1024xf32, #tpu.memory_space<hbm>>
      tpu.wait_dma2 semaphore(%run_scoped3A : memref<!tpu.dma_semaphore, #tpu.memory_space<semaphore_mem>>) src(%arg7 : memref<8x1024xf32, #tpu.memory_space<vmem>>) dst(%dma_wait3A_17 : memref<8x1024xf32, #tpu.memory_space<hbm>>)
      tpu.yield
    }) : () -> ()
    return
  }
}

module attributes {stable_mosaic.version = 14 : i64} {
  func.func @_matmul_body(%arg0: i32, %arg1: memref<4096x768xf32, #tpu.memory_space<vmem>>, %arg2: memref<64x768xf32, #tpu.memory_space<vmem>>, %arg3: memref<64x1xf32, #tpu.memory_space<vmem>>, %arg4: memref<64x4096xf32, #tpu.memory_space<vmem>>) attributes {dimension_semantics = [#tpu.dimension_semantics<arbitrary>], iteration_bounds = array<i64: 8>, scalar_prefetch = 0 : i64, scratch_operands = 0 : i64, tpu.core_type = #tpu.core_type<tc>, window_params = [{transform_indices = @transform_0, window_bounds = array<i64: 4096, 768>}, {pipeline_mode = #tpu.pipeline_mode<synchronous>, transform_indices = @transform_1, window_bounds = array<i64: 64, 768>}, {pipeline_mode = #tpu.pipeline_mode<synchronous>, transform_indices = @transform_2, window_bounds = array<i64: 64, 1>}, {transform_indices = @transform_3, window_bounds = array<i64: 64, 4096>}]} {
    %get3A = arith.constant 0 : index
    %get3A_0 = arith.constant 0 : index
    %get3A_1 = vector.load %arg1[%get3A, %get3A_0] : memref<4096x768xf32, #tpu.memory_space<vmem>>, vector<4096x768xf32>
    %get3A_2 = arith.constant 0 : index
    %get3A_3 = arith.constant 0 : index
    %get3A_4 = vector.load %arg2[%get3A_2, %get3A_3] : memref<64x768xf32, #tpu.memory_space<vmem>>, vector<64x768xf32>
    %dot_general3A = arith.constant dense<0.000000e+00> : vector<64x4096xf32>
    %dot_general3A_5 = tpu.matmul %get3A_4, %get3A_1, %dot_general3A {dimension_numbers = #tpu.dot_dimension_numbers<[1], [1], [0], [0], [0, 0, 1, 0], [], []>, transpose_lhs_hint = false} : vector<64x768xf32>, vector<4096x768xf32>, vector<64x4096xf32> -> vector<64x4096xf32>
    %get3A_6 = arith.constant 0 : index
    %get3A_7 = arith.constant 0 : index
    %get3A_8 = vector.load %arg3[%get3A_6, %get3A_7] : memref<64x1xf32, #tpu.memory_space<vmem>>, vector<64x1xf32>
    %add3A = vector.broadcast %get3A_8 : vector<64x1xf32> to vector<64x4096xf32>
    %add3A_9 = arith.addf %dot_general3A_5, %add3A : vector<64x4096xf32>
    %swap3A = arith.constant 0 : index
    %swap3A_10 = arith.constant 0 : index
    %swap3A_11 = vector.load %arg4[%swap3A, %swap3A_10] : memref<64x4096xf32, #tpu.memory_space<vmem>>, vector<64x4096xf32>
    tpu.vector_store %arg4[%swap3A, %swap3A_10], %add3A_9 {strides = array<i32>} : memref<64x4096xf32, #tpu.memory_space<vmem>>, vector<64x4096xf32>,
    return
  }
  func.func @transform_0(%arg0: i32) -> (i32, i32) {
    %c0_i32 = arith.constant 0 : i32
    %c0_i32_0 = arith.constant 0 : i32
    return %arg0, %c0_i32 : i32, i32
  }
  func.func @transform_1(%arg0: i32) -> (i32, i32) {
    %c0_i32 = arith.constant 0 : i32
    %c0_i32_0 = arith.constant 0 : i32
    %c0_i32_1 = arith.constant 0 : i32
    return %c0_i32, %c0_i32_0 : i32, i32
  }
  func.func @transform_2(%arg0: i32) -> (i32, i32) {
    %c0_i32 = arith.constant 0 : i32
    %c0_i32_0 = arith.constant 0 : i32
    %c0_i32_1 = arith.constant 0 : i32
    return %c0_i32, %c0_i32_0 : i32, i32
  }
  func.func @transform_3(%arg0: i32) -> (i32, i32) {
    %c0_i32 = arith.constant 0 : i32
    %c0_i32_0 = arith.constant 0 : i32
    return %c0_i32, %arg0 : i32, i32
  }
}

</mosaic_0001>

<sc_bundles>
// kernel: kernel.4.cloned.1.call-start
scs
__scs_entry_jumppad:
0x0: {  	(pc) =	sbr.rel $0x88, $3  }
0x1: {  	(tag) =	ssettag $0x0;
	lr =	simm.s32 $0x1  }
0x2: {  	[smem:$0x3F9E] =	sst lr;
	_ =	strace $0xD0000000  }
0x3: {  	_ = 	snop  }
0x4: {  	_ = 	snop  }
0x5: {  	_ = 	snop  }
0x6: {  	_ = 	snop  }
0x7: {  	_ = 	snop  }
__scs_overlays_trampoline_lowered:
0x8: {  	[smem:$0x3FAD] =	sst s0  }
0x9: {  	[smem:$0x3FAE] =	sst s1  }
0xa: {  	[smem:$0x3FAF] =	sst s2  }
0xb: {  	[smem:$0x3FB0] =	sst s3  }
0xc: {  	[smem:$0x3FB1] =	sst s4  }
0xd: {  	[smem:$0x3FB2] =	sst s5  }
0xe: {  	[smem:$0x3FB3] =	sst s6  }
0xf: {  	[smem:$0x3FB4] =	sst s7  }
0x10: {  	[smem:$0x3FB5] =	sst s8  }
0x11: {  	[smem:$0x3FB6] =	sst s9;
	s0 =	simm.s32 @!p0 $0x0  }
0x12: {  	s1 =	sld [smem:$0x3F9C];
	s0 =	simm.s32 @p0 $0x1  }
0x13: {  	[smem:$0x3FB7] =	sst s0;
	s0 =	simm.s32 @!p1 $0x0  }
0x14: {  	s2 =	sld [smem:$0x3F9B];
	s0 =	simm.s32 @p1 $0x1  }
0x15: {  	[smem:$0x3FB8] =	sst s0;
	s0 =	simm.s32 @!p2 $0x0  }
0x16: {  	s3 =	sld [smem:$0x3FDB];
	s0 =	simm.s32 @p2 $0x1  }
0x17: {  	s4 =	simm.s32 $0x1BF5;
	[smem:$0x3FBA] =	sst s0  }
0x18: {  	s0 =	sld [smem:$0x3F9D];
	_ =	swait.ge [sflag:s4], $0x0  }
0x19: {  	s7 =	sld [smem:$0x3F9E]  }
0x1a: {  	s8 =	sadd.s32 $0xFFFFE003, lr  }
0x1b: {  	s9 =	sadd.s32 $0xFFFFFEF7, lr;
	s5 =	simm.s32 $0xFFFFFFFF;
	p2 =	slt.u32 s8, $0xFFFFF086  }
0x1c: {  	p1 =	slt.u32 s9, $0xF7A;
	s5 =	simm.s32 @!p2 $0x0  }
0x1d: {  	s5 =	simm.s32 @p1 $0x1;
	p0 =	seq.s32 s7, s2  }
0x1e: {  	s7 =	smul.u32 @!p0 $0xF7A, s2;
	p2 =	seq.s32 @!p0 s5, $0x0  }
0x1f: {  	s9 =	smul.u32 $0xF7A, s1;
	s8 =	simm.s32 @!p0 $0x1BF5;
	p2 =	por !p2, p0  }
0x20: {  	[sflag:s8] =	ssyncset.s32 @!p0 $0xFFFFF086;
	s6 =	sadd.s32 @!p0 s3, s7;
	s7 =	simm.s32 @!p0 $0x108  }
0x21: {  	s3 =	sadd.s32 s3, s9;
	s6 =	sadd.s32 @!p0 $0x88, s6;
	s7 =	simm.s32 @p2 $0x1082  }
0x22: {  	[simem:s7], [sflag:s8] =	dma.local @!p0 [hbm:s6], $0xF7A  }
0x23: {  	s9 =	sor.u32 $0xD0000000, s2;
	s6 =	simm.s32 $0x108;
	_ =	swait.ge @!p0 [sflag:s8], $0x0  }
0x24: {  	s3 =	sadd.s32 $0x88, s3;
	s6 =	simm.s32 @!p1 $0x1082;
	[sflag:s4] =	ssyncset.s32 $0xFFFFF086  }
0x25: {  	[simem:s6], [sflag:s4] =	dma.local [hbm:s3], $0xF7A  }
0x26: {  	[smem:$0x3F9E] =	sst s1;
	(tag) =	ssettag s2;
	_ =	strace s9  }
0x27: {  	s1 =	sld [smem:$0x3FAE]  }
0x28: {  	s2 =	sld [smem:$0x3FAF]  }
0x29: {  	s4 =	sld [smem:$0x3FB1]  }
0x2a: {  	p0 =	seq.s32 s5, $0x0;
	s5 =	sld [smem:$0x3FB2]  }
0x2b: {  	s6 =	sld [smem:$0x3FB3]  }
0x2c: {  	s7 =	sld [smem:$0x3FB4]  }
0x2d: {  	s3 =	simm.s32 $0x108;
	s8 =	sld [smem:$0x3FB5]  }
0x2e: {  	s3 =	simm.s32 @!p0 $0x1082;
	s9 =	sld [smem:$0x3FB6]  }
0x2f: {  	lr =	sadd.s32 s0, s3;
	s0 =	sld [smem:$0x3FAD]  }
0x30: {  	s3 =	sld [smem:$0x3FB0]  }
0x31: {  	[smem:$0x3FB9] =	sst s10  }
0x32: {  	s10 =	sld [smem:$0x3FB7];
	_ =	sdelay $0x3  }
0x33: {  	p0 =	seq.s32 s10, $0x1;
	s10 =	sld [smem:$0x3FB9];
	_ =	sdelay $0x3  }
0x34: {  	[smem:$0x3FB9] =	sst s10  }
0x35: {  	s10 =	sld [smem:$0x3FB8];
	_ =	sdelay $0x3  }
0x36: {  	p1 =	seq.s32 s10, $0x1;
	s10 =	sld [smem:$0x3FB9];
	_ =	sdelay $0x3  }
0x37: {  	[smem:$0x3FB9] =	sst s10  }
0x38: {  	s10 =	sld [smem:$0x3FBA]  }
0x39: {  	_ = 	snop;
	(pc) =	sbr.ind lr, $3  }
0x3a: {  	_ = 	snop  }
0x3b: {  	_ = 	snop  }
0x3c: {  	p2 =	seq.s32 s10, $0x1;
	s10 =	sld [smem:$0x3FB9]  }
0x3d: {  	_ =	shalt  }
0x3e: {  	_ =	shalt  }
0x3f: {  	_ =	shalt  }
0x40: {  	_ =	shalt  }
0x41: {  	_ =	shalt  }
0x42: {  	_ =	shalt  }
0x43: {  	_ =	shalt  }
0x44: {  	_ =	shalt  }
0x45: {  	_ =	shalt  }
0x46: {  	_ =	shalt  }
0x47: {  	_ =	shalt  }
0x48: {  	_ =	shalt  }
0x49: {  	_ =	shalt  }
0x4a: {  	_ =	shalt  }
0x4b: {  	_ =	shalt  }
0x4c: {  	_ =	shalt  }
0x4d: {  	_ =	shalt  }
0x4e: {  	_ =	shalt  }
0x4f: {  	_ =	shalt  }
0x50: {  	_ =	shalt  }
0x51: {  	_ =	shalt  }
0x52: {  	_ =	shalt  }
0x53: {  	_ =	shalt  }
0x54: {  	_ =	shalt  }
0x55: {  	_ =	shalt  }
0x56: {  	_ =	shalt  }
0x57: {  	_ =	shalt  }
0x58: {  	_ =	shalt  }
0x59: {  	_ =	shalt  }
0x5a: {  	_ =	shalt  }
0x5b: {  	_ =	shalt  }
0x5c: {  	_ =	shalt  }
0x5d: {  	_ =	shalt  }
0x5e: {  	_ =	shalt  }
0x5f: {  	_ =	shalt  }
0x60: {  	_ =	shalt  }
0x61: {  	_ =	shalt  }
0x62: {  	_ =	shalt  }
0x63: {  	_ =	shalt  }
0x64: {  	_ =	shalt  }
0x65: {  	_ =	shalt  }
0x66: {  	_ =	shalt  }
0x67: {  	_ =	shalt  }
0x68: {  	_ =	shalt  }
0x69: {  	_ =	shalt  }
0x6a: {  	_ =	shalt  }
0x6b: {  	_ =	shalt  }
0x6c: {  	_ =	shalt  }
0x6d: {  	_ =	shalt  }
0x6e: {  	_ =	shalt  }
0x6f: {  	_ =	shalt  }
0x70: {  	_ =	shalt  }
0x71: {  	_ =	shalt  }
0x72: {  	_ =	shalt  }
0x73: {  	_ =	shalt  }
0x74: {  	_ =	shalt  }
0x75: {  	_ =	shalt  }
0x76: {  	_ =	shalt  }
0x77: {  	_ =	shalt  }
0x78: {  	_ =	shalt  }
0x79: {  	_ =	shalt  }
0x7a: {  	_ =	shalt  }
0x7b: {  	_ =	shalt  }
0x7c: {  	_ =	shalt  }
0x7d: {  	_ =	shalt  }
0x7e: {  	_ =	shalt  }
0x7f: {  	_ =	shalt  }
0x80: {  	_ =	shalt  }
0x81: {  	_ =	shalt  }
0x82: {  	_ =	shalt  }
0x83: {  	_ =	shalt  }
0x84: {  	_ =	shalt  }
0x85: {  	_ =	shalt  }
0x86: {  	_ =	shalt  }
0x87: {  	_ =	shalt  }
.Lfunc_end0:
.L_simem_size_0:
called_computation_lowered:
.L_overlay_start_0:
0x88: {  	s2 =	sld [smem:$0x3FD9]  }
0x89: {  	s3 =	sld [smem:$0x3FFE];
	_ =	sdelay $0x1  }
0x8a: {  	s1 =	srdreg.scid  }
0x8b: {  	s0 =	sand.u32 $0x1, s1  }
0x8c: {  	s14 =	sshll.u32 s0, $0xA;
	s2 =	sadd.s32 s3, s2  }
0x8d: {  	s2 =	sadd.s32 s2, s14  }
0x8e: {  	[smem:$0x3FC5] =	sst s2  }
0x8f: {  	_ = 	snop  }
0x90: {  	s2 =	sld [smem:$0x3FD0];
	_ =	sdelay $0x2  }
0x91: {  	s15 =	simm.s32 $0xA;
	s4 =	simm.s32 $0x10  }
0x92: {  	[smem:s4], [sflag:s15] =	dma.local [hbm:s2], $0x1  }
0x93: {  	_ =	swait.eq [sflag:s15], $0x1  }
0x94: {  	[sflag:s15] =	ssyncset.done $0x0  }
0x95: {  	s16 =	sld [smem:$0x10];
	[sflag:s15] =	ssyncadd.s32 $0xFFFFFFFF  }
0x96: {  	s17 =	sld [smem:$0x11];
	(tm) =	ssettm $0x1  }
0x97: {  	s18 =	sld [smem:$0x3FFB];
	_ =	sdelay $0x3  }
0x98: {  	_ =	strace s18  }
0x99: {  	s4 =	sld [smem:$0x3FFC];
	_ =	sdelay $0x3  }
0x9a: {  	_ =	strace s4  }
0x9b: {  	s4 =	sld [smem:$0x3FFD];
	_ =	sdelay $0x3  }
0x9c: {  	_ =	strace s4  }
0x9d: {  	_ =	strace $0x8FFFFFFF  }
0x9e: {  	s19 =	sld [smem:$0x3FDB];
	_ =	sdelay $0x1  }
0x9f: {  	s5 =	simm.s32 $_scs_section_size  }
0xa0: {  	s6 =	simm.s32 $_size__tile_overlayer_lowered;
	s7 =	simm.s32 $_tile_overlayer_lowered  }
0xa1: {  	s22 =	simm.s32 $0x1BFF;
	s21 =	sshll.u32 s7, $0x1;
	s4 =	sadd.s32 s5, s19  }
0xa2: {  	s8 =	simm.s32 $0x0;
	s20 =	sshll.u32 s6, $0x1;
	s6 =	sadd.s32 s21, s4  }
0xa3: {  	[timem:s8], [sflag:s22] =	dma.local [hbm:s6], s20  }
0xa4: {  	_ =	swait.ge [sflag:s22], s20  }
0xa5: {  	s5 =	ssub.s32 $0x0, s20;
	[sflag:s22] =	ssyncset.done $0x0  }
0xa6: {  	[sflag:s22] =	ssyncadd.s32 s5;
	_ =	sdelay $0x1  }
0xa7: {  	s23 =	simm.s32 $0x1B8B  }
0xa8: {  	_ =	swait.ge [sflag:s23], $0x1  }
0xa9: {  	[sflag:s23] =	ssyncset.done $0x0  }
0xaa: {  	s25 =	simm.s32 $0x1B8E;
	s24 =	sld [smem:$0x3FFE];
	[sflag:s23] =	ssyncadd.s32 $0xFFFFFFFF  }
0xab: {  	s26 =	simm.s32 $execute0_lowered;
	[smem:$0x3FD2] =	sst s25  }
0xac: {  	s6 =	sshll.u32 s26, $0x1;
	_ =	strace $0x80000046;
	[dreg:$0x1] =	wrdreg $0xFFFFFFFF  }
0xad: {  	s28 =	simm.s32 $_size_execute0_lowered;
	s4 =	sadd.s32 s4, s6;
	[dreg:$0x0] =	wrdreg $0x0  }
0xae: {  	s6 =	sshll.u32 s28, $0x1;
	[dreg:$0x2] =	wrdreg s4  }
0xaf: {  	[dreg:$0x3] =	wrdreg s6  }
0xb0: {  	[dreg:$0x4] =	wrdreg $0xC0  }
0xb1: {  	_ =	task [dreg:s8], $0x5FFFF  }
0xb2: {  	[dreg:$0x1] =	wrdreg $0xFFFFFFFF  }
0xb3: {  	[dreg:$0x0] =	wrdreg $0x60  }
0xb4: {  	[dreg:$0x2] =	wrdreg s24  }
0xb5: {  	[dreg:$0x3] =	wrdreg s16  }
0xb6: {  	[dreg:$0x4] =	wrdreg s17  }
0xb7: {  	[dreg:$0x5] =	wrdreg $0x9  }
0xb8: {  	_ =	task.clear_ibuf [dreg:s8], $0x6FFFF;
	_ =	strace $0x90000046  }
0xb9: {  	s29 =	simm.s32 $0x9;
	_ =	strace $0x80000048  }
0xba: {  	_ =	swait.ge [sflag:s29], $0x1  }
0xbb: {  	[sflag:s29] =	ssyncadd.s32 $0xFFFFFFFF  }
0xbc: {  	_ =	strace $0x90000048  }
0xbd: {  	_ =	sfence  }
0xbe: {  	s30 =	sld [smem:$0x0];
	_ =	sdelay $0x2  }
0xbf: {  	s31 =	sshll.u32 s1, $0xD;
	s1 =	sshrl.u32 s1, $0x2  }
0xc0: {  	s3 =	sand.u32 $0x4000, s31;
	s1 =	sadd.s32 s1, s30  }
0xc1: {  	s0 =	sor.u32 s3, s0;
	s1 =	sshll.u32 s1, $0x11  }
0xc2: {  	s0 =	sor.u32 s1, s0  }
0xc3: {  	s0 =	sadd.s32 $0x8F2B, s0  }
0xc4: {  	[sflag:s0] =	ssyncadd.remote.s32 $0x1  }
0xc5: {  	_ =	sfence.sel $0xFFFF  }
0xc6: {  	[dreg:$0x0] =	wrdreg $0xFFFFFFFF;
	(pc) =	sbr.abs _section_cstart, $3  }
0xc7: {  	[dreg:$0x1] =	wrdreg $0xFFFFFFFF  }
0xc8: {  	_ =	task.clear_ibuf [dreg:s8], $0x2FFFF;
	_ =	strace $0x9FFFFFFF  }
0xc9: {  	(tm) =	ssettm $0x7FFFFFFF  }
tec
execute0_lowered:
.L_overlay_start_1:
0x0: {  	(tag) =	ssettag $0x1  }
0x1: {  	s3 =	rddreg [dreg:$0x0]  }
0x2: {  	s4 =	rddreg [dreg:$0x1];
	s0 =	srdreg.scid  }
0x3: {  	s5 =	rddreg [dreg:$0x2];
	s1 =	stileid.u32;
	s2 =	simm.s32 $0x0  }
0x4: {  	s9 =	simm.s32 $0x1;
	s10 =	simm.s32 $0x10000;
	s11 =	simm.s32 $0x12000  }
0x5: {  	s12 =	simm.s32 $0x0;
	s6 =	sand.u32 $0x1, s0;
	s0 =	rddreg [dreg:$0x3]  }
0x6: {  	s7 =	sshll.u32 s1, $0xB;
	[smem:$0x7FF] =	sst s2;
	s8 =	sshll.u32 s6, $0xA  }
0x7: {  	s6 =	ssub.s32 $0x2, s6;
	_ =	strace $0x80000047;
	s7 =	sor.u32 s8, s7  }
0x8: {  	s31 =	sshrl.u32 s6, $0x1;
	s8 =	simm.s32 $0x40000;
	s3 =	sadd.s32 s7, s3  }
0x9: {  	s6 =	ssub.s32 s6, s31;
	s4 =	sadd.s32 s4, s7;
	s5 =	sadd.s32 s5, s7  }
0xa: {  	s7 =	simm.s32 $0x2000;
	s3 =	sadd.s32 $0xC00, s3;
	s6 =	smax.u32 s6, $0x1  }
.LBB2_1:
0xb: {  	[tilespmem:s2], [sflag:$0x1] =	stream.strided.gather [hbm4b:s3+s7], $0x10000, s8, s7, $0x38;
	[tilespmem:$0x14000] =	vst v63  }
0xc: {  	_ =	swait.ge [sflag:s9], $0x10000  }
0xd: {  	[sflag:s9] =	ssyncset.done $0x0  }
0xe: {  	s13 =	simm.s32 $0x0;
	[sflag:s9] =	ssyncadd.s32 $0xFFFF0000  }
.LBB2_2:
0xf: {  	s14 =	sshll.u32 s13, $0x4  }
0x10: {  	s16 =	sand.u32 $0x70, s14  }
0x11: {  	v12 =	vmov s16  }
0x12: {  	s15 =	sshll.u32 s13, $0x7;
	s18 =	simm.s32 $0x0  }
0x13: {  	s17 =	sand.u32 $0x1C00, s15;
	s19 =	sand.u32 $0xE000, s18  }
0x14: {  	s20 =	sand.u32 $0x380, s18;
	s19 =	sor.u32 s19, s17  }
0x15: {  	s19 =	sadd.s32 s20, s19  }
0x16: {  	v1 =	vld.idx.msk [tilespmem:v12+s19+$0x0 ss:$0x1], $0xffff;
	_ =	sdelay $0x3  }
0x17: {  	v10 =	vimm.f32 $-Inf  }
0x18: {  	vm0 =	vgt.f32 v1, v10  }
0x19: {  	s30 =	simm.s32 $0x400;
	v2 =	vsel vm0, v10, v1  }
0x1a: {  	v0 =	vimm.s32 $0x0;
	s31 =	sand.u32 $0xE000, s30;
	s19 =	simm.s32 $0x80;
	vm1 =	vgt.f32 v2, v10  }
0x1b: {  	v21 =	vimm.f32 $-Inf;
	s20 =	sor.u32 s31, s17;
	s21 =	sand.u32 $0x380, s19;
	v19 =	vsel vm0, v1, v10;
	v3 =	vsel vm1, v10, v2  }
0x1c: {  	s20 =	sadd.s32 s21, s20;
	v17 =	vsel vm1, v2, v10;
	v2 =	vnsel vm0, s18, v0;
	vm2 =	vgt.f32 v3, v10  }
0x1d: {  	v20 =	vld.idx.msk [tilespmem:v12+s20+$0x0 ss:$0x1], $0xffff;
	v8 =	vsel vm0, s18, v0;
	v6 =	vsel vm1, v2, v0;
	v1 =	vsel vm2, v10, v3  }
0x1e: {  	v16 =	vsel vm2, v3, v10;
	v3 =	vsel vm1, v0, v2;
	vm3 =	vgt.f32 v1, v10  }
0x1f: {  	v4 =	vsel vm2, v0, v3;
	v14 =	vsel vm3, v1, v10;
	v1 =	vsel vm3, v10, v1  }
0x20: {  	v7 =	vsel vm2, v3, v0;
	v3 =	vimm.s32 $0x0;
	vm5 =	vgt.f32 v1, v10  }
0x21: {  	v2 =	vsel vm3, v4, v0;
	v15 =	vsel vm5, v1, v10;
	v1 =	vsel vm5, v10, v1  }
0x22: {  	v4 =	vsel vm3, v0, v4;
	vm3 =	vgt.f32 v20, v19;
	vm1 =	vgt.f32 v1, v10  }
0x23: {  	v25 =	vsel vm3, v19, v20;
	v5 =	vsel vm5, v4, v0;
	v22 =	vsel vm1, v10, v1  }
0x24: {  	vm4 =	vgt.f32 v25, v17;
	v13 =	vsel vm5, v0, v4;
	vm0 =	vgt.f32 v22, v10  }
0x25: {  	v4 =	vimm.s32 $0x0;
	v24 =	vsel vm4, v17, v25;
	v23 =	vsel vm0, v10, v22  }
0x26: {  	s21 =	simm.s32 $0x800;
	s20 =	simm.s32 $0x2;
	v11 =	vmovc v8;
	s18 =	simm.s32 $0x1;
	v9 =	vmovc v5;
	v18 =	vsel vm1, v1, v10;
	v1 =	vimm.s32 $0x0;
	vm2 =	vgt.f32 v23, v10  }
.LBB2_3:
0x27: {  	s22 =	sand.u32 $0xE000, s21  }
0x28: {  	p0 =	sne.s32 s20, $0x3F;
	v17 =	vsel vm4, v25, v17;
	s19 =	sadd.s32 $0x80, s19;
	v25 =	vsel vm1, v0, v13;
	v10 =	vsel vm2, v23, v10;
	s23 =	smov.u32 s20  }
0x29: {  	s20 =	sadd.s32 $0x1, s20;
	v0 =	vsel vm1, v13, v0;
	v21 =	vsel vm0, v22, v21;
	s24 =	sand.u32 $0x380, s19;
	s22 =	sor.u32 s22, s17;
	v4 =	vsel vm0, v25, v4  }
0x2a: {  	v19 =	vsel vm3, v20, v19;
	vm5 =	vgt.f32 v24, v16;
	v13 =	vsel vm0, v3, v25;
	s22 =	sadd.s32 s24, s22;
	v3 =	vmovc v4  }
0x2b: {  	v22 =	vsel vm5, v16, v24;
	v16 =	vsel vm5, v24, v16;
	v1 =	vsel vm2, v13, v1;
	v20 =	vld.idx.msk [tilespmem:v12+s22+$0x0 ss:$0x1], $0xffff  }
0x2c: {  	v8 =	vsel vm3, s18, v8;
	vm0 =	vgt.f32 v22, v14  }
0x2d: {  	v13 =	vnsel vm3, s18, v11;
	v11 =	vmovc v8;
	s18 =	smov.u32 s23;
	v23 =	vsel vm0, v14, v22;
	v14 =	vsel vm0, v22, v14  }
0x2e: {  	v22 =	vsel vm4, v6, v13;
	v6 =	vsel vm4, v13, v6;
	vm2 =	vgt.f32 v23, v15  }
0x2f: {  	v13 =	vsel vm5, v7, v22;
	v24 =	vsel vm2, v15, v23;
	v15 =	vsel vm2, v23, v15  }
.Ltmp0:
0x30: {  	v26 =	vsel vm0, v2, v13;
	v2 =	vsel vm0, v13, v2;
	vm1 =	vgt.f32 v24, v18;
	(pc) =	sbr.rel @p0 .LBB2_3-.Ltmp0, $4  }
0x31: {  	v7 =	vsel vm5, v22, v7;
	v22 =	vsel vm1, v18, v24;
	vm3 =	vgt.f32 v20, v19  }
0x32: {  	v5 =	vsel vm2, v26, v5;
	vm0 =	vgt.f32 v22, v21;
	v25 =	vsel vm3, v19, v20  }
0x33: {  	v18 =	vsel vm1, v24, v18;
	v23 =	vsel vm0, v21, v22;
	vm4 =	vgt.f32 v25, v17  }
0x34: {  	s21 =	sadd.s32 $0x400, s21;
	v13 =	vsel vm2, v9, v26;
	v9 =	vmovc v5;
	vm2 =	vgt.f32 v23, v10;
	v24 =	vsel vm4, v17, v25  }
0x35: {  	v12 =	vsel vm3, v20, v19;
	vm10 =	vgt.f32 v24, v16;
	v17 =	vsel vm4, v25, v17  }
0x36: {  	v21 =	vsel vm0, v22, v21;
	v10 =	vsel vm2, v23, v10;
	v20 =	vsub.f32 v12, v12  }
0x37: {  	v63 =	vsel vm10, v16, v24;
	v17 =	vsub.f32 v17, v12;
	v26 =	vsel vm10, v24, v16  }
0x38: {  	vm9 =	vgt.f32 v63, v14;
	v16 =	vsub.f32 v26, v12;
	v20 =	vmul.f32 $1.442695020e+00, v20  }
0x39: {  	v25 =	vsel vm9, v14, v63;
	v17 =	vmul.f32 $1.442695020e+00, v17;
	v28 =	vsel vm9, v63, v14  }
0x3a: {  	vm8 =	vgt.f32 v25, v15;
	v14 =	vsub.f32 v28, v12;
	(erf) = vpow2.f32 v20  }
0x3b: {  	v16 =	vmul.f32 $1.442695020e+00, v16;
	v27 =	vsel vm8, v15, v25;
	(erf) = vpow2.f32 v17  }
0x3c: {  	v30 =	vsel vm8, v25, v15;
	vm6 =	vgt.f32 v27, v18;
	v14 =	vmul.f32 $1.442695020e+00, v14  }
0x3d: {  	v15 =	vsub.f32 v30, v12;
	v29 =	vsel vm6, v18, v27;
	(erf) = vpow2.f32 v16  }
0x3e: {  	v31 =	vsel vm6, v27, v18;
	vm5 =	vgt.f32 v29, v21;
	(erf) = vpow2.f32 v14  }
0x3f: {  	v33 =	vmul.f32 $1.442695020e+00, v15;
	v34 =	vsub.f32 v31, v12;
	v32 =	vsel vm5, v21, v29  }
0x40: {  	v35 =	vsel vm5, v29, v21;
	vm7 =	vgt.f32 v32, v10  }
0x41: {  	(erf) = vpow2.f32 v33;
	v36 =	vmul.f32 $1.442695020e+00, v34;
	v37 =	vsub.f32 v35, v12  }
0x42: {  	v10 =	vsel vm7, v32, v10  }
0x43: {  	v39 =	vmul.f32 $1.442695020e+00, v37;
	v10 =	vsub.f32 v10, v12;
	v38 =	vpop (erf);
	(erf) = vpow2.f32 v36  }
0x44: {  	v40 =	vpop (erf)  }
0x45: {  	v10 =	vmul.f32 $1.442695020e+00, v10;
	(erf) = vpow2.f32 v39;
	v41 =	vadd.f32 v40, v38  }
0x46: {  	v42 =	vpop (erf)  }
0x47: {  	(erf) = vpow2.f32 v10;
	v43 =	vadd.f32 v42, v41  }
0x48: {  	v44 =	vpop (erf)  }
0x49: {  	v10 =	vadd.f32 v44, v43  }
0x4a: {  	v45 =	vpop (erf)  }
0x4b: {  	v10 =	vadd.f32 v45, v10  }
0x4c: {  	v46 =	vpop (erf)  }
0x4d: {  	v10 =	vadd.f32 v46, v10  }
0x4e: {  	v47 =	vpop (erf)  }
0x4f: {  	v10 =	vadd.f32 v47, v10  }
0x50: {  	v48 =	vpop (erf)  }
0x51: {  	v10 =	vadd.f32 v48, v10;
	_ =	sdelay $0x1  }
0x52: {  	(erf) = vrcp.f32 v10;
	_ =	sdelay $0x8  }
0x53: {  	v10 =	vpop (erf)  }
0x54: {  	v8 =	vsel vm3, s18, v8;
	s16 =	sor.u32 s16, s17;
	v16 =	vmul.f32 v10, v38  }
0x55: {  	v11 =	vnsel vm3, s18, v11;
	[tilespmem:s16+$0x10000] =	vst v8  }
0x56: {  	v49 =	vsel vm4, v11, v6;
	s17 =	sor.u32 $0x10080, s16;
	v12 =	vmul.f32 v10, v40;
	[tilespmem:s16+$0x12000] =	vst v16  }
0x57: {  	v50 =	vsel vm4, v6, v11;
	s21 =	sor.u32 $0x12080, s16;
	[tilespmem:s17+$0x0] =	vst v49  }
0x58: {  	s22 =	sor.u32 $0x10100, s16;
	v51 =	vsel vm10, v50, v7;
	v52 =	vmul.f32 v10, v42;
	[tilespmem:s21+$0x0] =	vst v12  }
0x59: {  	s23 =	sor.u32 $0x12100, s16;
	v6 =	vsel vm10, v7, v50;
	[tilespmem:s22+$0x0] =	vst v51  }
0x5a: {  	s24 =	sor.u32 $0x10180, s16;
	v7 =	vsel vm9, v6, v2;
	v53 =	vmul.f32 v10, v44;
	[tilespmem:s23+$0x0] =	vst v52  }
0x5b: {  	s25 =	sor.u32 $0x12180, s16;
	v54 =	vsel vm9, v2, v6;
	[tilespmem:s24+$0x0] =	vst v7  }
0x5c: {  	s26 =	sor.u32 $0x10200, s16;
	v5 =	vsel vm8, v54, v5;
	v55 =	vmul.f32 v10, v45;
	[tilespmem:s25+$0x0] =	vst v53  }
0x5d: {  	v56 =	vsel vm1, v13, v0;
	s28 =	sor.u32 $0x12200, s16;
	v2 =	vsel vm8, v9, v54;
	[tilespmem:s26+$0x0] =	vst v5  }
0x5e: {  	v57 =	vsel vm1, v0, v13;
	s13 =	sadd.s32 $0x1, s13;
	s29 =	sor.u32 $0x10280, s16;
	v58 =	vsel vm6, v2, v56;
	v59 =	vmul.f32 v10, v46;
	[tilespmem:s28+$0x0] =	vst v55  }
0x5f: {  	v4 =	vsel vm0, v57, v4;
	s30 =	sor.u32 $0x12280, s16;
	p0 =	sne.s32 s13, $0x40;
	v2 =	vsel vm6, v56, v2;
	[tilespmem:s29+$0x0] =	vst v58  }
.Ltmp1:
0x60: {  	v0 =	vsel vm0, v3, v57;
	s31 =	sor.u32 $0x10300, s16;
	v60 =	vsel vm5, v2, v4;
	v61 =	vmul.f32 v10, v47;
	[tilespmem:s30+$0x0] =	vst v59;
	(pc) =	sbr.rel @p0 .LBB2_2-.Ltmp1, $4  }
0x61: {  	s14 =	sor.u32 s15, s14;
	v0 =	vsel vm2, v0, v1;
	v62 =	vsel vm5, v4, v2;
	s16 =	sor.u32 $0x12300, s16;
	[tilespmem:s31+$0x0] =	vst v60  }
0x62: {  	s14 =	sor.u32 $0x380, s14;
	v0 =	vsel vm7, v62, v0;
	v63 =	vmul.f32 v10, v48;
	[tilespmem:s16+$0x0] =	vst v61  }
0x63: {  	[tilespmem:s14+$0x10000] =	vst v0  }
0x64: {  	[tilespmem:s14+$0x12000] =	vst v63  }
0x65: {  	[hbm4b:s4+s2] =	stream.linear.scatter [tilespmem:s10], [sflag:$0x1], $0x2000, $0x38;
	[tilespmem:$0x14000] =	vst v63  }
0x66: {  	s12 =	sadd.s32 $0x1, s12;
	_ =	swait.ge [sflag:s9], $0x2000  }
0x67: {  	p0 =	sne.s32 s12, s6;
	[sflag:s9] =	ssyncset.done $0x0  }
.Ltmp2:
0x68: {  	[sflag:s9] =	ssyncadd.s32 $0xFFFFE000;
	(pc) =	sbr.rel @p0 .LBB2_1-.Ltmp2, $4  }
0x69: {  	[hbm4b:s5+s2] =	stream.linear.scatter [tilespmem:s11], [sflag:$0x1], $0x2000, $0x38;
	[tilespmem:$0x14000] =	vst v63  }
0x6a: {  	_ =	swait.ge [sflag:s9], $0x2000  }
0x6b: {  	[sflag:s9] =	ssyncset.done $0x0  }
0x6c: {  	[sflag:s9] =	ssyncadd.s32 $0xFFFFE000  }
0x6d: {  	_ =	sfence.sel $0x180000  }
0x6e: {  	[bflag:$0x0] =	sbarrier.arrive $0xFFFF  }
0x6f: {  	p0 =	sne.s32 s1, $0x0;
	_ =	strace $0x90000047  }
0x70: {  	s0 =	sadd.s32 @!p0 $0x100000, s0;
	[bflag:$0x2] =	sbarrier.arrive $0xFFFF  }
0x71: {  	[sflag:s0] =	ssyncadd.tile.s32 @!p0 $0x1;
	_ =	shalt  }
.Lfunc_end2:
_tile_overlayer_lowered:
.L_overlay_start_2:
0x72: {  	(tag) =	ssettag $0x2  }
0x73: {  	s0 =	rddreg [dreg:$0x0];
	s2 =	stileid.u32  }
0x74: {  	s1 =	rddreg [dreg:$0x1];
	p0 =	sne.s32 s2, $0x0  }
0x75: {  	s3 =	rddreg [dreg:$0x2];
	[bflag:$0x3] =	sbarrier.arrive $0xFFFF;
	s2 =	simm.s32 @!p0 $0x1C01  }
0x76: {  	[timem:s3], [sflag:s2] =	dma.local @!p0 [hbm:s0], s1  }
0x77: {  	s0 =	simm.s32 @!p0 $0x1  }
0x78: {  	_ =	swait.ge @!p0 [sflag:s0], s1  }
0x79: {  	s1 =	ssub.s32 @!p0 $0x0, s1;
	[sflag:s0] =	ssyncset.done @!p0 $0x0  }
0x7a: {  	[sflag:s0] =	ssyncadd.s32 @!p0 s1  }
0x7b: {  	[bflag:$0x3] =	sbarrier.arrive $0xFFFF  }
0x7c: {  	_ =	shalt  }

</sc_bundles>
